<compile_context>
chip_gen: v7x
topology: tpu7x:2x2x1
jax: 0.10.2.dev20260603
libtpu: 0.0.44.dev20260713+nightly
codegen_flags: <defaults>
</compile_context>

<pallas_src>
import functools

import jax
import jax.numpy as jnp
import numpy as np
from jax import lax
from jax.experimental import pallas as pl
from jax.experimental.pallas import tpu as pltpu
from jax.experimental.pallas import tpu_sc as plsc

N_FIELDS = 26
VOCAB = 100000
EMB = 32
EPS = 1e-5

NC = 2
NS = 16
LANES = 16
NW = NC * NS

CHUNK = 128


def _gather_body(xcat_hbm, table_hbm, out_hbm, idx_v, rows_v, sem):
    tot = xcat_hbm.shape[0]
    per_w = tot // NW
    n_chunks = per_w // CHUNK
    wid = lax.axis_index("s") * NC + lax.axis_index("c")
    base_w = wid * per_w

    lane = jnp.arange(LANES, dtype=jnp.int32)

    def chunk(c, carry):
        base = base_w + c * CHUNK
        pltpu.sync_copy(xcat_hbm.at[pl.ds(base, CHUNK)], idx_v)
        for j in range(CHUNK // LANES):
            pos = base + j * LANES + lane
            f = lax.rem(pos, N_FIELDS)
            idx_v[pl.ds(j * LANES, LANES)] = (
                idx_v[pl.ds(j * LANES, LANES)] + f * VOCAB
            )
        pltpu.async_copy(table_hbm.at[idx_v], rows_v, sem).wait()
        pltpu.sync_copy(rows_v, out_hbm.at[pl.ds(base, CHUNK)])
        return carry

    lax.fori_loop(0, n_chunks, chunk, 0)


def _sc_gather(xcat_flat, table2d):
    tot = xcat_flat.shape[0]
    mesh = plsc.VectorSubcoreMesh(core_axis_name="c", subcore_axis_name="s")
    return pl.kernel(
        _gather_body,
        mesh=mesh,
        compiler_params=pltpu.CompilerParams(use_tc_tiling_on_sc=False),
        out_type=jax.ShapeDtypeStruct((tot, EMB), jnp.float32),
        scratch_types=[
            pltpu.VMEM((CHUNK,), jnp.int32),
            pltpu.VMEM((CHUNK, EMB), jnp.float32),
            pltpu.SemaphoreType.DMA,
        ],
    )(xcat_flat, table2d)


def _mlp_body(cat_ref, num_ref, w0a_ref, w0b_ref, s0_ref, t0_ref,
              w1_ref, s1_ref, t1_ref, w2_ref, s2_ref, t2_ref,
              wo_ref, bo_ref, out_ref):
    h = jnp.dot(cat_ref[...], w0a_ref[...], preferred_element_type=jnp.float32)
    h += jnp.dot(num_ref[...], w0b_ref[...], preferred_element_type=jnp.float32)
    h = jnp.maximum(h * s0_ref[...] + t0_ref[...], 0.0)
    h = jnp.dot(h, w1_ref[...], preferred_element_type=jnp.float32)
    h = jnp.maximum(h * s1_ref[...] + t1_ref[...], 0.0)
    h = jnp.dot(h, w2_ref[...], preferred_element_type=jnp.float32)
    h = jnp.maximum(h * s2_ref[...] + t2_ref[...], 0.0)
    out_ref[...] = (
        jnp.dot(h, wo_ref[...], preferred_element_type=jnp.float32) + bo_ref[...]
    )


def _tc_mlp(cat, xnum, w0a, w0b, s0, t0, w1, s1, t1, w2, s2, t2, wo, bo, blk):
    b = cat.shape[0]
    d_cat = cat.shape[1]
    d_num = xnum.shape[1]
    grid = (b // blk,)

    def full(a):
        return pl.BlockSpec(a.shape, lambda i: (0,) * a.ndim)

    return pl.pallas_call(
        _mlp_body,
        grid=grid,
        in_specs=[
            pl.BlockSpec((blk, d_cat), lambda i: (i, 0)),
            pl.BlockSpec((blk, d_num), lambda i: (i, 0)),
            full(w0a), full(w0b), full(s0), full(t0),
            full(w1), full(s1), full(t1),
            full(w2), full(s2), full(t2),
            full(wo), full(bo),
        ],
        out_specs=pl.BlockSpec((blk, 1), lambda i: (i, 0)),
        out_shape=jax.ShapeDtypeStruct((b, 1), jnp.float32),
    )(cat, xnum, w0a, w0b, s0, t0, w1, s1, t1, w2, s2, t2, wo, bo)


def kernel(X_cat, X_num, tables, W0, b0, g0, be0, W1, b1, g1, be1,
           W2, b2, g2, be2, W_out, b_out):
    b = X_cat.shape[0]
    d_cat = N_FIELDS * EMB

    table2d = tables.reshape(N_FIELDS * VOCAB, EMB)
    xcat_flat = X_cat.reshape(-1).astype(jnp.int32)
    cat = _sc_gather(xcat_flat, table2d).reshape(b, d_cat)

    k = np.float32(1.0) / jnp.sqrt(jnp.float32(1.0) + jnp.float32(EPS))
    s0 = (g0 * k).reshape(1, -1)
    t0 = (b0 * g0 * k + be0).reshape(1, -1)
    s1 = (g1 * k).reshape(1, -1)
    t1 = (b1 * g1 * k + be1).reshape(1, -1)
    s2 = (g2 * k).reshape(1, -1)
    t2 = (b2 * g2 * k + be2).reshape(1, -1)

    out = _tc_mlp(
        cat, X_num,
        W0[:d_cat], W0[d_cat:], s0, t0,
        W1, s1, t1, W2, s2, t2,
        W_out, b_out.reshape(1, -1),
        blk=1024,
    )
    return out

# --- scband reference (transcript-rebuilt; emitter-appended) ---
"""Pipeline reference for scband-tabular-nnmodel-83992380441116 (READ-ONLY COPY).

The authoritative reference and input builder live on the scoring server;
editing this copy changes nothing except your own understanding.
"""

import jax, jax.numpy as jnp
import numpy as np

B = 16384
N_FIELDS = 26
VOCAB = 100000
EMB = 32
N_NUM = 13
HID = [512, 256, 128]
EPS = 1e-5


def setup_inputs(seed: int = 0) -> dict:
    key = jax.random.key(seed)
    ks = jax.random.split(key, 32)
    inp = {}
    inp['X_cat'] = jax.random.randint(ks[0], (B, N_FIELDS), 0, VOCAB, dtype=jnp.int64) if jax.config.jax_enable_x64 else jax.random.randint(ks[0], (B, N_FIELDS), 0, VOCAB, dtype=jnp.int32)
    inp['X_num'] = jax.random.normal(ks[1], (B, N_NUM), dtype=jnp.float32)
    # stacked embedding tables [26, 100000, 32]
    inp['tables'] = jax.random.normal(ks[2], (N_FIELDS, VOCAB, EMB), dtype=jnp.float32) * 0.02
    input_dim = N_FIELDS * EMB + N_NUM
    dims = [input_dim] + HID
    for i, (din, dout) in enumerate(zip(dims[:-1], dims[1:])):
        inp[f'W{i}'] = jax.random.normal(ks[3 + 4 * i], (din, dout), dtype=jnp.float32) * (1.0 / np.sqrt(din))
        inp[f'b{i}'] = jnp.zeros((dout,), dtype=jnp.float32)
        inp[f'g{i}'] = jnp.ones((dout,), dtype=jnp.float32)
        inp[f'be{i}'] = jnp.zeros((dout,), dtype=jnp.float32)
    inp['W_out'] = jax.random.normal(ks[30], (HID[-1], 1), dtype=jnp.float32) * (1.0 / np.sqrt(HID[-1]))
    inp['b_out'] = jnp.zeros((1,), dtype=jnp.float32)
    return inp


def reference(X_cat, X_num, tables, W0, b0, g0, be0, W1, b1, g1, be1, W2, b2, g2, be2, W_out, b_out):
    # embedding lookup per field: tables[i][X_cat[:, i]] vectorized via advanced indexing
    field_idx = jnp.arange(N_FIELDS)  # [26]
    embedded = tables[field_idx[None, :], X_cat]  # [B, 26, 32]
    cat_features = embedded.reshape(X_cat.shape[0], N_FIELDS * EMB)
    x = jnp.concatenate([cat_features, X_num], axis=1)
    Ws = [W0, W1, W2]
    bs = [b0, b1, b2]
    gs = [g0, g1, g2]
    bes = [be0, be1, be2]
    for W, b, g, be in zip(Ws, bs, gs, bes):
        x = x @ W + b
        # BatchNorm1d in eval mode: running_mean=0, running_var=1
        x = (x - 0.0) / jnp.sqrt(1.0 + EPS) * g + be
        x = jax.nn.relu(x)
        # dropout is identity in eval mode
    out = x @ W_out + b_out
    return out

if __name__ == "__main__":
    import jax
    _d = setup_inputs()
    print(jax.jit(kernel)(*tuple(_d.values())))

</pallas_src>

<mosaic_0001>
#map = affine_map<(d0, d1) -> (0)>
#map1 = affine_map<(d0, d1) -> (0, 0)>
module attributes {stable_mosaic.version = 14 : i64} {
  func.func @_gather_body(%arg0: i32, %arg1: i32, %arg2: memref<425984xi32, #tpu.memory_space<hbm>>, %arg3: memref<2600000x32xf32, #tpu.memory_space<hbm>>, %arg4: memref<425984x32xf32, #tpu.memory_space<hbm>>, %arg5: memref<128xi32, #tpu.memory_space<vmem>>, %arg6: memref<128x32xf32, #tpu.memory_space<vmem>>, %arg7: memref<!tpu.dma_semaphore, #tpu.memory_space<semaphore_mem>>) attributes {dimension_semantics = [#tpu.dimension_semantics<core_parallel>, #tpu.dimension_semantics<subcore_parallel>], iteration_bounds = array<i64: 2, 16>, scalar_prefetch = 0 : i64, scratch_operands = 3 : i64, tpu.core_type = #tpu.core_type<sc_vector_subcore>, window_params = [{transform_indices = #map}, {transform_indices = #map1}, {transform_indices = #map1}]} {
    %mul3A = arith.constant 2 : i32
    %mul3A_0 = arith.muli %arg1, %mul3A : i32
    %add3A = arith.addi %mul3A_0, %arg0 : i32
    %mul3A_1 = arith.constant 13312 : i32
    %mul3A_2 = arith.muli %add3A, %mul3A_1 : i32
    %iota3A = tpu.iota {dimensions = array<i32: 0>} : vector<16xi32>
    %scan3A = arith.constant 0 : i32
    %scan3A_3 = arith.constant 0 : i32
    %scan3A_4 = arith.constant 104 : i32
    %scan3A_5 = arith.addi %scan3A_3, %scan3A_4 : i32
    %scan3A_6 = arith.constant 1 : i32
    scf.for %scan3A_8 = %scan3A_3 to %scan3A_5 step %scan3A_6  : i32 {
      %mul3A_9 = arith.constant 128 : i32
      %mul3A_10 = arith.muli %scan3A_8, %mul3A_9 : i32
      %add3A_11 = arith.addi %mul3A_2, %mul3A_10 : i32
      "tpu.region"() ({
        %run_scoped3A = tpu.sem_alloc : memref<!tpu.dma_semaphore, #tpu.memory_space<semaphore_mem>>
        %dma_start3A_157 = tpu.memref_slice %arg2[%add3A_11] : memref<425984xi32, #tpu.memory_space<hbm>> -> memref<128xi32, #tpu.memory_space<hbm>>
        %dma_start3A_158 = tpu.memref_slice %arg2[%add3A_11] : memref<425984xi32, #tpu.memory_space<hbm>> -> memref<128xi32, #tpu.memory_space<hbm>>
        tpu.enqueue_dma source(%dma_start3A_158 : memref<128xi32, #tpu.memory_space<hbm>>) target(%arg5 : memref<128xi32, #tpu.memory_space<vmem>>) target_semaphore(%run_scoped3A : memref<!tpu.dma_semaphore, #tpu.memory_space<semaphore_mem>>)
        %dma_wait3A_159 = tpu.memref_slice %arg2[%add3A_11] : memref<425984xi32, #tpu.memory_space<hbm>> -> memref<128xi32, #tpu.memory_space<hbm>>
        %dma_wait3A_160 = tpu.memref_slice %arg2[%add3A_11] : memref<425984xi32, #tpu.memory_space<hbm>> -> memref<128xi32, #tpu.memory_space<hbm>>
        tpu.wait_dma2 semaphore(%run_scoped3A : memref<!tpu.dma_semaphore, #tpu.memory_space<semaphore_mem>>) src(%dma_wait3A_160 : memref<128xi32, #tpu.memory_space<hbm>>) dst(%arg5 : memref<128xi32, #tpu.memory_space<vmem>>)
        tpu.yield
      }) : () -> ()
      %add3A_12 = arith.constant 0 : i32
      %add3A_13 = arith.addi %add3A_11, %add3A_12 : i32
      %add3A_14 = vector.broadcast %add3A_13 : i32 to vector<16xi32>
      %add3A_15 = arith.addi %add3A_14, %iota3A : vector<16xi32>
      %rem3A = arith.constant 26 : i32
      %rem3A_16 = vector.broadcast %rem3A : i32 to vector<16xi32>
      %rem3A_17 = arith.remsi %add3A_15, %rem3A_16 : vector<16xi32>
      %get3A = arith.constant 0 : index
      %get3A_18 = tpu.vector_load %arg5[%get3A] {strides = array<i32>} : memref<128xi32, #tpu.memory_space<vmem>>, vector<16xi32>,
      %get3A_19 = vector.shape_cast %get3A_18 : vector<16xi32> to vector<16xi32>
      %mul3A_20 = arith.constant 100000 : i32
      %mul3A_21 = vector.broadcast %mul3A_20 : i32 to vector<16xi32>
      %mul3A_22 = arith.muli %rem3A_17, %mul3A_21 : vector<16xi32>
      %add3A_23 = arith.addi %get3A_19, %mul3A_22 : vector<16xi32>
      %swap3A = arith.constant 0 : index
      %swap3A_24 = tpu.vector_load %arg5[%swap3A] {strides = array<i32>} : memref<128xi32, #tpu.memory_space<vmem>>, vector<16xi32>,
      %swap3A_25 = vector.shape_cast %swap3A_24 : vector<16xi32> to vector<16xi32>
      %swap3A_26 = vector.shape_cast %add3A_23 : vector<16xi32> to vector<16xi32>
      tpu.vector_store %arg5[%swap3A], %swap3A_26 {strides = array<i32>} : memref<128xi32, #tpu.memory_space<vmem>>, vector<16xi32>,
      %add3A_27 = arith.constant 16 : i32
      %add3A_28 = arith.addi %add3A_11, %add3A_27 : i32
      %add3A_29 = vector.broadcast %add3A_28 : i32 to vector<16xi32>
      %add3A_30 = arith.addi %add3A_29, %iota3A : vector<16xi32>
      %rem3A_31 = arith.constant 26 : i32
      %rem3A_32 = vector.broadcast %rem3A_31 : i32 to vector<16xi32>
      %rem3A_33 = arith.remsi %add3A_30, %rem3A_32 : vector<16xi32>
      %get3A_34 = arith.constant 16 : index
      %get3A_35 = tpu.vector_load %arg5[%get3A_34] {strides = array<i32>} : memref<128xi32, #tpu.memory_space<vmem>>, vector<16xi32>,
      %get3A_36 = vector.shape_cast %get3A_35 : vector<16xi32> to vector<16xi32>
      %mul3A_37 = arith.constant 100000 : i32
      %mul3A_38 = vector.broadcast %mul3A_37 : i32 to vector<16xi32>
      %mul3A_39 = arith.muli %rem3A_33, %mul3A_38 : vector<16xi32>
      %add3A_40 = arith.addi %get3A_36, %mul3A_39 : vector<16xi32>
      %swap3A_41 = arith.constant 16 : index
      %swap3A_42 = tpu.vector_load %arg5[%swap3A_41] {strides = array<i32>} : memref<128xi32, #tpu.memory_space<vmem>>, vector<16xi32>,
      %swap3A_43 = vector.shape_cast %swap3A_42 : vector<16xi32> to vector<16xi32>
      %swap3A_44 = vector.shape_cast %add3A_40 : vector<16xi32> to vector<16xi32>
      tpu.vector_store %arg5[%swap3A_41], %swap3A_44 {strides = array<i32>} : memref<128xi32, #tpu.memory_space<vmem>>, vector<16xi32>,
      %add3A_45 = arith.constant 32 : i32
      %add3A_46 = arith.addi %add3A_11, %add3A_45 : i32
      %add3A_47 = vector.broadcast %add3A_46 : i32 to vector<16xi32>
      %add3A_48 = arith.addi %add3A_47, %iota3A : vector<16xi32>
      %rem3A_49 = arith.constant 26 : i32
      %rem3A_50 = vector.broadcast %rem3A_49 : i32 to vector<16xi32>
      %rem3A_51 = arith.remsi %add3A_48, %rem3A_50 : vector<16xi32>
      %get3A_52 = arith.constant 32 : index
      %get3A_53 = tpu.vector_load %arg5[%get3A_52] {strides = array<i32>} : memref<128xi32, #tpu.memory_space<vmem>>, vector<16xi32>,
      %get3A_54 = vector.shape_cast %get3A_53 : vector<16xi32> to vector<16xi32>
      %mul3A_55 = arith.constant 100000 : i32
      %mul3A_56 = vector.broadcast %mul3A_55 : i32 to vector<16xi32>
      %mul3A_57 = arith.muli %rem3A_51, %mul3A_56 : vector<16xi32>
      %add3A_58 = arith.addi %get3A_54, %mul3A_57 : vector<16xi32>
      %swap3A_59 = arith.constant 32 : index
      %swap3A_60 = tpu.vector_load %arg5[%swap3A_59] {strides = array<i32>} : memref<128xi32, #tpu.memory_space<vmem>>, vector<16xi32>,
      %swap3A_61 = vector.shape_cast %swap3A_60 : vector<16xi32> to vector<16xi32>
      %swap3A_62 = vector.shape_cast %add3A_58 : vector<16xi32> to vector<16xi32>
      tpu.vector_store %arg5[%swap3A_59], %swap3A_62 {strides = array<i32>} : memref<128xi32, #tpu.memory_space<vmem>>, vector<16xi32>,
      %add3A_63 = arith.constant 48 : i32
      %add3A_64 = arith.addi %add3A_11, %add3A_63 : i32
      %add3A_65 = vector.broadcast %add3A_64 : i32 to vector<16xi32>
      %add3A_66 = arith.addi %add3A_65, %iota3A : vector<16xi32>
      %rem3A_67 = arith.constant 26 : i32
      %rem3A_68 = vector.broadcast %rem3A_67 : i32 to vector<16xi32>
      %rem3A_69 = arith.remsi %add3A_66, %rem3A_68 : vector<16xi32>
      %get3A_70 = arith.constant 48 : index
      %get3A_71 = tpu.vector_load %arg5[%get3A_70] {strides = array<i32>} : memref<128xi32, #tpu.memory_space<vmem>>, vector<16xi32>,
      %get3A_72 = vector.shape_cast %get3A_71 : vector<16xi32> to vector<16xi32>
      %mul3A_73 = arith.constant 100000 : i32
      %mul3A_74 = vector.broadcast %mul3A_73 : i32 to vector<16xi32>
      %mul3A_75 = arith.muli %rem3A_69, %mul3A_74 : vector<16xi32>
      %add3A_76 = arith.addi %get3A_72, %mul3A_75 : vector<16xi32>
      %swap3A_77 = arith.constant 48 : index
      %swap3A_78 = tpu.vector_load %arg5[%swap3A_77] {strides = array<i32>} : memref<128xi32, #tpu.memory_space<vmem>>, vector<16xi32>,
      %swap3A_79 = vector.shape_cast %swap3A_78 : vector<16xi32> to vector<16xi32>
      %swap3A_80 = vector.shape_cast %add3A_76 : vector<16xi32> to vector<16xi32>
      tpu.vector_store %arg5[%swap3A_77], %swap3A_80 {strides = array<i32>} : memref<128xi32, #tpu.memory_space<vmem>>, vector<16xi32>,
      %add3A_81 = arith.constant 64 : i32
      %add3A_82 = arith.addi %add3A_11, %add3A_81 : i32
      %add3A_83 = vector.broadcast %add3A_82 : i32 to vector<16xi32>
      %add3A_84 = arith.addi %add3A_83, %iota3A : vector<16xi32>
      %rem3A_85 = arith.constant 26 : i32
      %rem3A_86 = vector.broadcast %rem3A_85 : i32 to vector<16xi32>
      %rem3A_87 = arith.remsi %add3A_84, %rem3A_86 : vector<16xi32>
      %get3A_88 = arith.constant 64 : index
      %get3A_89 = tpu.vector_load %arg5[%get3A_88] {strides = array<i32>} : memref<128xi32, #tpu.memory_space<vmem>>, vector<16xi32>,
      %get3A_90 = vector.shape_cast %get3A_89 : vector<16xi32> to vector<16xi32>
      %mul3A_91 = arith.constant 100000 : i32
      %mul3A_92 = vector.broadcast %mul3A_91 : i32 to vector<16xi32>
      %mul3A_93 = arith.muli %rem3A_87, %mul3A_92 : vector<16xi32>
      %add3A_94 = arith.addi %get3A_90, %mul3A_93 : vector<16xi32>
      %swap3A_95 = arith.constant 64 : index
      %swap3A_96 = tpu.vector_load %arg5[%swap3A_95] {strides = array<i32>} : memref<128xi32, #tpu.memory_space<vmem>>, vector<16xi32>,
      %swap3A_97 = vector.shape_cast %swap3A_96 : vector<16xi32> to vector<16xi32>
      %swap3A_98 = vector.shape_cast %add3A_94 : vector<16xi32> to vector<16xi32>
      tpu.vector_store %arg5[%swap3A_95], %swap3A_98 {strides = array<i32>} : memref<128xi32, #tpu.memory_space<vmem>>, vector<16xi32>,
      %add3A_99 = arith.constant 80 : i32
      %add3A_100 = arith.addi %add3A_11, %add3A_99 : i32
      %add3A_101 = vector.broadcast %add3A_100 : i32 to vector<16xi32>
      %add3A_102 = arith.addi %add3A_101, %iota3A : vector<16xi32>
      %rem3A_103 = arith.constant 26 : i32
      %rem3A_104 = vector.broadcast %rem3A_103 : i32 to vector<16xi32>
      %rem3A_105 = arith.remsi %add3A_102, %rem3A_104 : vector<16xi32>
      %get3A_106 = arith.constant 80 : index
      %get3A_107 = tpu.vector_load %arg5[%get3A_106] {strides = array<i32>} : memref<128xi32, #tpu.memory_space<vmem>>, vector<16xi32>,
      %get3A_108 = vector.shape_cast %get3A_107 : vector<16xi32> to vector<16xi32>
      %mul3A_109 = arith.constant 100000 : i32
      %mul3A_110 = vector.broadcast %mul3A_109 : i32 to vector<16xi32>
      %mul3A_111 = arith.muli %rem3A_105, %mul3A_110 : vector<16xi32>
      %add3A_112 = arith.addi %get3A_108, %mul3A_111 : vector<16xi32>
      %swap3A_113 = arith.constant 80 : index
      %swap3A_114 = tpu.vector_load %arg5[%swap3A_113] {strides = array<i32>} : memref<128xi32, #tpu.memory_space<vmem>>, vector<16xi32>,
      %swap3A_115 = vector.shape_cast %swap3A_114 : vector<16xi32> to vector<16xi32>
      %swap3A_116 = vector.shape_cast %add3A_112 : vector<16xi32> to vector<16xi32>
      tpu.vector_store %arg5[%swap3A_113], %swap3A_116 {strides = array<i32>} : memref<128xi32, #tpu.memory_space<vmem>>, vector<16xi32>,
      %add3A_117 = arith.constant 96 : i32
      %add3A_118 = arith.addi %add3A_11, %add3A_117 : i32
      %add3A_119 = vector.broadcast %add3A_118 : i32 to vector<16xi32>
      %add3A_120 = arith.addi %add3A_119, %iota3A : vector<16xi32>
      %rem3A_121 = arith.constant 26 : i32
      %rem3A_122 = vector.broadcast %rem3A_121 : i32 to vector<16xi32>
      %rem3A_123 = arith.remsi %add3A_120, %rem3A_122 : vector<16xi32>
      %get3A_124 = arith.constant 96 : index
      %get3A_125 = tpu.vector_load %arg5[%get3A_124] {strides = array<i32>} : memref<128xi32, #tpu.memory_space<vmem>>, vector<16xi32>,
      %get3A_126 = vector.shape_cast %get3A_125 : vector<16xi32> to vector<16xi32>
      %mul3A_127 = arith.constant 100000 : i32
      %mul3A_128 = vector.broadcast %mul3A_127 : i32 to vector<16xi32>
      %mul3A_129 = arith.muli %rem3A_123, %mul3A_128 : vector<16xi32>
      %add3A_130 = arith.addi %get3A_126, %mul3A_129 : vector<16xi32>
      %swap3A_131 = arith.constant 96 : index
      %swap3A_132 = tpu.vector_load %arg5[%swap3A_131] {strides = array<i32>} : memref<128xi32, #tpu.memory_space<vmem>>, vector<16xi32>,
      %swap3A_133 = vector.shape_cast %swap3A_132 : vector<16xi32> to vector<16xi32>
      %swap3A_134 = vector.shape_cast %add3A_130 : vector<16xi32> to vector<16xi32>
      tpu.vector_store %arg5[%swap3A_131], %swap3A_134 {strides = array<i32>} : memref<128xi32, #tpu.memory_space<vmem>>, vector<16xi32>,
      %add3A_135 = arith.constant 112 : i32
      %add3A_136 = arith.addi %add3A_11, %add3A_135 : i32
      %add3A_137 = vector.broadcast %add3A_136 : i32 to vector<16xi32>
      %add3A_138 = arith.addi %add3A_137, %iota3A : vector<16xi32>
      %rem3A_139 = arith.constant 26 : i32
      %rem3A_140 = vector.broadcast %rem3A_139 : i32 to vector<16xi32>
      %rem3A_141 = arith.remsi %add3A_138, %rem3A_140 : vector<16xi32>
      %get3A_142 = arith.constant 112 : index
      %get3A_143 = tpu.vector_load %arg5[%get3A_142] {strides = array<i32>} : memref<128xi32, #tpu.memory_space<vmem>>, vector<16xi32>,
      %get3A_144 = vector.shape_cast %get3A_143 : vector<16xi32> to vector<16xi32>
      %mul3A_145 = arith.constant 100000 : i32
      %mul3A_146 = vector.broadcast %mul3A_145 : i32 to vector<16xi32>
      %mul3A_147 = arith.muli %rem3A_141, %mul3A_146 : vector<16xi32>
      %add3A_148 = arith.addi %get3A_144, %mul3A_147 : vector<16xi32>
      %swap3A_149 = arith.constant 112 : index
      %swap3A_150 = tpu.vector_load %arg5[%swap3A_149] {strides = array<i32>} : memref<128xi32, #tpu.memory_space<vmem>>, vector<16xi32>,
      %swap3A_151 = vector.shape_cast %swap3A_150 : vector<16xi32> to vector<16xi32>
      %swap3A_152 = vector.shape_cast %add3A_148 : vector<16xi32> to vector<16xi32>
      tpu.vector_store %arg5[%swap3A_149], %swap3A_152 {strides = array<i32>} : memref<128xi32, #tpu.memory_space<vmem>>, vector<16xi32>,
      %dma_start3A = arith.constant 0 : i32
      %dma_start3A_153 = arith.constant 0 : i32
      %dma_start3A_154 = tpu.memref_slice %arg3[%dma_start3A, %dma_start3A_153] : memref<2600000x32xf32, #tpu.memory_space<hbm>> -> memref<2600000x32xf32, #tpu.memory_space<hbm>>
      tpu.enqueue_indirect_dma source(%dma_start3A_154 : memref<2600000x32xf32, #tpu.memory_space<hbm>>) target(%arg6 : memref<128x32xf32, #tpu.memory_space<vmem>>) offsets(%arg5 : memref<128xi32, #tpu.memory_space<vmem>>) semaphore(%arg7 : memref<!tpu.dma_semaphore, #tpu.memory_space<semaphore_mem>>)
      %dma_wait3A = arith.constant 0 : i32
      %dma_wait3A_155 = arith.constant 0 : i32
      %dma_wait3A_156 = tpu.memref_slice %arg3[%dma_wait3A, %dma_wait3A_155] : memref<2600000x32xf32, #tpu.memory_space<hbm>> -> memref<2600000x32xf32, #tpu.memory_space<hbm>>
      tpu.wait_indirect_dma semaphore(%arg7 : memref<!tpu.dma_semaphore, #tpu.memory_space<semaphore_mem>>) src(%dma_wait3A_156 : memref<2600000x32xf32, #tpu.memory_space<hbm>>) dst(%arg6 : memref<128x32xf32, #tpu.memory_space<vmem>>)
      "tpu.region"() ({
        %run_scoped3A = tpu.sem_alloc : memref<!tpu.dma_semaphore, #tpu.memory_space<semaphore_mem>>
        %dma_start3A_157 = arith.constant 0 : i32
        %dma_start3A_158 = tpu.memref_slice %arg4[%add3A_11, %dma_start3A_157] : memref<425984x32xf32, #tpu.memory_space<hbm>> -> memref<128x32xf32, #tpu.memory_space<hbm>>
        %dma_start3A_159 = arith.constant 0 : i32
        %dma_start3A_160 = tpu.memref_slice %arg4[%add3A_11, %dma_start3A_159] : memref<425984x32xf32, #tpu.memory_space<hbm>> -> memref<128x32xf32, #tpu.memory_space<hbm>>
        tpu.enqueue_dma source(%arg6 : memref<128x32xf32, #tpu.memory_space<vmem>>) target(%dma_start3A_160 : memref<128x32xf32, #tpu.memory_space<hbm>>) target_semaphore(%run_scoped3A : memref<!tpu.dma_semaphore, #tpu.memory_space<semaphore_mem>>)
        %dma_wait3A_161 = arith.constant 0 : i32
        %dma_wait3A_162 = tpu.memref_slice %arg4[%add3A_11, %dma_wait3A_161] : memref<425984x32xf32, #tpu.memory_space<hbm>> -> memref<128x32xf32, #tpu.memory_space<hbm>>
        %dma_wait3A_163 = arith.constant 0 : i32
        %dma_wait3A_164 = tpu.memref_slice %arg4[%add3A_11, %dma_wait3A_163] : memref<425984x32xf32, #tpu.memory_space<hbm>> -> memref<128x32xf32, #tpu.memory_space<hbm>>
        tpu.wait_dma2 semaphore(%run_scoped3A : memref<!tpu.dma_semaphore, #tpu.memory_space<semaphore_mem>>) src(%arg6 : memref<128x32xf32, #tpu.memory_space<vmem>>) dst(%dma_wait3A_164 : memref<128x32xf32, #tpu.memory_space<hbm>>)
        tpu.yield
      }) : () -> ()
    }
    %scan3A_7 = arith.constant 104 : i32
    return
  }
}

module attributes {stable_mosaic.version = 14 : i64} {
  func.func @_mlp_body(%arg0: i32, %arg1: memref<1024x832xf32, #tpu.memory_space<vmem>>, %arg2: memref<1024x13xf32, #tpu.memory_space<vmem>>, %arg3: memref<832x512xf32, #tpu.memory_space<vmem>>, %arg4: memref<13x512xf32, #tpu.memory_space<vmem>>, %arg5: memref<1x512xf32, #tpu.memory_space<vmem>>, %arg6: memref<1x512xf32, #tpu.memory_space<vmem>>, %arg7: memref<512x256xf32, #tpu.memory_space<vmem>>, %arg8: memref<1x256xf32, #tpu.memory_space<vmem>>, %arg9: memref<1x256xf32, #tpu.memory_space<vmem>>, %arg10: memref<256x128xf32, #tpu.memory_space<vmem>>, %arg11: memref<1x128xf32, #tpu.memory_space<vmem>>, %arg12: memref<1x128xf32, #tpu.memory_space<vmem>>, %arg13: memref<128x1xf32, #tpu.memory_space<vmem>>, %arg14: memref<1x1xf32, #tpu.memory_space<vmem>>, %arg15: memref<1024x1xf32, #tpu.memory_space<vmem>>) attributes {dimension_semantics = [#tpu.dimension_semantics<arbitrary>], iteration_bounds = array<i64: 16>, scalar_prefetch = 0 : i64, scratch_operands = 0 : i64, tpu.core_type = #tpu.core_type<tc>, window_params = [{transform_indices = @transform_0, window_bounds = array<i64: 1024, 832>}, {transform_indices = @transform_1, window_bounds = array<i64: 1024, 13>}, {pipeline_mode = #tpu.pipeline_mode<synchronous>, transform_indices = @transform_2, window_bounds = array<i64: 832, 512>}, {pipeline_mode = #tpu.pipeline_mode<synchronous>, transform_indices = @transform_3, window_bounds = array<i64: 13, 512>}, {pipeline_mode = #tpu.pipeline_mode<synchronous>, transform_indices = @transform_4, window_bounds = array<i64: 1, 512>}, {pipeline_mode = #tpu.pipeline_mode<synchronous>, transform_indices = @transform_5, window_bounds = array<i64: 1, 512>}, {pipeline_mode = #tpu.pipeline_mode<synchronous>, transform_indices = @transform_6, window_bounds = array<i64: 512, 256>}, {pipeline_mode = #tpu.pipeline_mode<synchronous>, transform_indices = @transform_7, window_bounds = array<i64: 1, 256>}, {pipeline_mode = #tpu.pipeline_mode<synchronous>, transform_indices = @transform_8, window_bounds = array<i64: 1, 256>}, {pipeline_mode = #tpu.pipeline_mode<synchronous>, transform_indices = @transform_9, window_bounds = array<i64: 256, 128>}, {pipeline_mode = #tpu.pipeline_mode<synchronous>, transform_indices = @transform_10, window_bounds = array<i64: 1, 128>}, {pipeline_mode = #tpu.pipeline_mode<synchronous>, transform_indices = @transform_11, window_bounds = array<i64: 1, 128>}, {pipeline_mode = #tpu.pipeline_mode<synchronous>, transform_indices = @transform_12, window_bounds = array<i64: 128, 1>}, {pipeline_mode = #tpu.pipeline_mode<synchronous>, transform_indices = @transform_13, window_bounds = array<i64: 1, 1>}, {transform_indices = @transform_14, window_bounds = array<i64: 1024, 1>}]} {
    %get3A = arith.constant 0 : index
    %get3A_0 = arith.constant 0 : index
    %get3A_1 = vector.load %arg1[%get3A, %get3A_0] : memref<1024x832xf32, #tpu.memory_space<vmem>>, vector<1024x832xf32>
    %get3A_2 = arith.constant 0 : index
    %get3A_3 = arith.constant 0 : index
    %get3A_4 = vector.load %arg3[%get3A_2, %get3A_3] : memref<832x512xf32, #tpu.memory_space<vmem>>, vector<832x512xf32>
    %dot_general3A = arith.constant dense<0.000000e+00> : vector<1024x512xf32>
    %dot_general3A_5 = tpu.matmul %get3A_1, %get3A_4, %dot_general3A {dimension_numbers = #tpu.dot_dimension_numbers<[1], [0], [0], [1], [0, 0, 1, 1], [], []>, transpose_lhs_hint = false} : vector<1024x832xf32>, vector<832x512xf32>, vector<1024x512xf32> -> vector<1024x512xf32>
    %get3A_6 = arith.constant 0 : index
    %get3A_7 = arith.constant 0 : index
    %get3A_8 = vector.load %arg2[%get3A_6, %get3A_7] : memref<1024x13xf32, #tpu.memory_space<vmem>>, vector<1024x13xf32>
    %get3A_9 = arith.constant 0 : index
    %get3A_10 = arith.constant 0 : index
    %get3A_11 = vector.load %arg4[%get3A_9, %get3A_10] : memref<13x512xf32, #tpu.memory_space<vmem>>, vector<13x512xf32>
    %dot_general3A_12 = arith.constant dense<0.000000e+00> : vector<1024x512xf32>
    %dot_general3A_13 = tpu.matmul %get3A_8, %get3A_11, %dot_general3A_12 {dimension_numbers = #tpu.dot_dimension_numbers<[1], [0], [0], [1], [0, 0, 1, 1], [], []>, transpose_lhs_hint = false} : vector<1024x13xf32>, vector<13x512xf32>, vector<1024x512xf32> -> vector<1024x512xf32>
    %add3A = arith.addf %dot_general3A_5, %dot_general3A_13 : vector<1024x512xf32>
    %get3A_14 = arith.constant 0 : index
    %get3A_15 = arith.constant 0 : index
    %get3A_16 = vector.load %arg5[%get3A_14, %get3A_15] : memref<1x512xf32, #tpu.memory_space<vmem>>, vector<1x512xf32>
    %mul3A = vector.broadcast %get3A_16 : vector<1x512xf32> to vector<1024x512xf32>
    %mul3A_17 = arith.mulf %add3A, %mul3A : vector<1024x512xf32>
    %get3A_18 = arith.constant 0 : index
    %get3A_19 = arith.constant 0 : index
    %get3A_20 = vector.load %arg6[%get3A_18, %get3A_19] : memref<1x512xf32, #tpu.memory_space<vmem>>, vector<1x512xf32>
    %add3A_21 = vector.broadcast %get3A_20 : vector<1x512xf32> to vector<1024x512xf32>
    %add3A_22 = arith.addf %mul3A_17, %add3A_21 : vector<1024x512xf32>
    %max3A = arith.constant 0.000000e+00 : f32
    %max3A_23 = vector.broadcast %max3A : f32 to vector<1024x512xf32>
    %max3A_24 = arith.maximumf %add3A_22, %max3A_23 : vector<1024x512xf32>
    %get3A_25 = arith.constant 0 : index
    %get3A_26 = arith.constant 0 : index
    %get3A_27 = vector.load %arg7[%get3A_25, %get3A_26] : memref<512x256xf32, #tpu.memory_space<vmem>>, vector<512x256xf32>
    %dot_general3A_28 = arith.constant dense<0.000000e+00> : vector<1024x256xf32>
    %dot_general3A_29 = tpu.matmul %max3A_24, %get3A_27, %dot_general3A_28 {dimension_numbers = #tpu.dot_dimension_numbers<[1], [0], [0], [1], [0, 0, 1, 1], [], []>, transpose_lhs_hint = false} : vector<1024x512xf32>, vector<512x256xf32>, vector<1024x256xf32> -> vector<1024x256xf32>
    %get3A_30 = arith.constant 0 : index
    %get3A_31 = arith.constant 0 : index
    %get3A_32 = vector.load %arg8[%get3A_30, %get3A_31] : memref<1x256xf32, #tpu.memory_space<vmem>>, vector<1x256xf32>
    %mul3A_33 = vector.broadcast %get3A_32 : vector<1x256xf32> to vector<1024x256xf32>
    %mul3A_34 = arith.mulf %dot_general3A_29, %mul3A_33 : vector<1024x256xf32>
    %get3A_35 = arith.constant 0 : index
    %get3A_36 = arith.constant 0 : index
    %get3A_37 = vector.load %arg9[%get3A_35, %get3A_36] : memref<1x256xf32, #tpu.memory_space<vmem>>, vector<1x256xf32>
    %add3A_38 = vector.broadcast %get3A_37 : vector<1x256xf32> to vector<1024x256xf32>
    %add3A_39 = arith.addf %mul3A_34, %add3A_38 : vector<1024x256xf32>
    %max3A_40 = arith.constant 0.000000e+00 : f32
    %max3A_41 = vector.broadcast %max3A_40 : f32 to vector<1024x256xf32>
    %max3A_42 = arith.maximumf %add3A_39, %max3A_41 : vector<1024x256xf32>
    %get3A_43 = arith.constant 0 : index
    %get3A_44 = arith.constant 0 : index
    %get3A_45 = vector.load %arg10[%get3A_43, %get3A_44] : memref<256x128xf32, #tpu.memory_space<vmem>>, vector<256x128xf32>
    %dot_general3A_46 = arith.constant dense<0.000000e+00> : vector<1024x128xf32>
    %dot_general3A_47 = tpu.matmul %max3A_42, %get3A_45, %dot_general3A_46 {dimension_numbers = #tpu.dot_dimension_numbers<[1], [0], [0], [1], [0, 0, 1, 1], [], []>, transpose_lhs_hint = false} : vector<1024x256xf32>, vector<256x128xf32>, vector<1024x128xf32> -> vector<1024x128xf32>
    %get3A_48 = arith.constant 0 : index
    %get3A_49 = arith.constant 0 : index
    %get3A_50 = vector.load %arg11[%get3A_48, %get3A_49] : memref<1x128xf32, #tpu.memory_space<vmem>>, vector<1x128xf32>
    %mul3A_51 = vector.broadcast %get3A_50 : vector<1x128xf32> to vector<1024x128xf32>
    %mul3A_52 = arith.mulf %dot_general3A_47, %mul3A_51 : vector<1024x128xf32>
    %get3A_53 = arith.constant 0 : index
    %get3A_54 = arith.constant 0 : index
    %get3A_55 = vector.load %arg12[%get3A_53, %get3A_54] : memref<1x128xf32, #tpu.memory_space<vmem>>, vector<1x128xf32>
    %add3A_56 = vector.broadcast %get3A_55 : vector<1x128xf32> to vector<1024x128xf32>
    %add3A_57 = arith.addf %mul3A_52, %add3A_56 : vector<1024x128xf32>
    %max3A_58 = arith.constant 0.000000e+00 : f32
    %max3A_59 = vector.broadcast %max3A_58 : f32 to vector<1024x128xf32>
    %max3A_60 = arith.maximumf %add3A_57, %max3A_59 : vector<1024x128xf32>
    %get3A_61 = arith.constant 0 : index
    %get3A_62 = arith.constant 0 : index
    %get3A_63 = vector.load %arg13[%get3A_61, %get3A_62] : memref<128x1xf32, #tpu.memory_space<vmem>>, vector<128x1xf32>
    %dot_general3A_64 = arith.constant dense<0.000000e+00> : vector<1024x1xf32>
    %dot_general3A_65 = tpu.matmul %max3A_60, %get3A_63, %dot_general3A_64 {dimension_numbers = #tpu.dot_dimension_numbers<[1], [0], [0], [1], [0, 0, 1, 1], [], []>, transpose_lhs_hint = false} : vector<1024x128xf32>, vector<128x1xf32>, vector<1024x1xf32> -> vector<1024x1xf32>
    %get3A_66 = arith.constant 0 : index
    %get3A_67 = arith.constant 0 : index
    %get3A_68 = vector.load %arg14[%get3A_66, %get3A_67] : memref<1x1xf32, #tpu.memory_space<vmem>>, vector<1x1xf32>
    %add3A_69 = vector.broadcast %get3A_68 : vector<1x1xf32> to vector<1024x1xf32>
    %add3A_70 = arith.addf %dot_general3A_65, %add3A_69 : vector<1024x1xf32>
    %swap3A = arith.constant 0 : index
    %swap3A_71 = arith.constant 0 : index
    %swap3A_72 = vector.load %arg15[%swap3A, %swap3A_71] : memref<1024x1xf32, #tpu.memory_space<vmem>>, vector<1024x1xf32>
    tpu.vector_store %arg15[%swap3A, %swap3A_71], %add3A_70 {strides = array<i32>} : memref<1024x1xf32, #tpu.memory_space<vmem>>, vector<1024x1xf32>,
    return
  }
  func.func @transform_0(%arg0: i32) -> (i32, i32) {
    %c0_i32 = arith.constant 0 : i32
    %c0_i32_0 = arith.constant 0 : i32
    return %arg0, %c0_i32 : i32, i32
  }
  func.func @transform_1(%arg0: i32) -> (i32, i32) {
    %c0_i32 = arith.constant 0 : i32
    %c0_i32_0 = arith.constant 0 : i32
    return %arg0, %c0_i32 : i32, i32
  }
  func.func @transform_2(%arg0: i32) -> (i32, i32) {
    %c0_i32 = arith.constant 0 : i32
    %c0_i32_0 = arith.constant 0 : i32
    %c0_i32_1 = arith.constant 0 : i32
    return %c0_i32, %c0_i32_0 : i32, i32
  }
  func.func @transform_3(%arg0: i32) -> (i32, i32) {
    %c0_i32 = arith.constant 0 : i32
    %c0_i32_0 = arith.constant 0 : i32
    %c0_i32_1 = arith.constant 0 : i32
    return %c0_i32, %c0_i32_0 : i32, i32
  }
  func.func @transform_4(%arg0: i32) -> (i32, i32) {
    %c0_i32 = arith.constant 0 : i32
    %c0_i32_0 = arith.constant 0 : i32
    %c0_i32_1 = arith.constant 0 : i32
    return %c0_i32, %c0_i32_0 : i32, i32
  }
  func.func @transform_5(%arg0: i32) -> (i32, i32) {
    %c0_i32 = arith.constant 0 : i32
    %c0_i32_0 = arith.constant 0 : i32
    %c0_i32_1 = arith.constant 0 : i32
    return %c0_i32, %c0_i32_0 : i32, i32
  }
  func.func @transform_6(%arg0: i32) -> (i32, i32) {
    %c0_i32 = arith.constant 0 : i32
    %c0_i32_0 = arith.constant 0 : i32
    %c0_i32_1 = arith.constant 0 : i32
    return %c0_i32, %c0_i32_0 : i32, i32
  }
  func.func @transform_7(%arg0: i32) -> (i32, i32) {
    %c0_i32 = arith.constant 0 : i32
    %c0_i32_0 = arith.constant 0 : i32
    %c0_i32_1 = arith.constant 0 : i32
    return %c0_i32, %c0_i32_0 : i32, i32
  }
  func.func @transform_8(%arg0: i32) -> (i32, i32) {
    %c0_i32 = arith.constant 0 : i32
    %c0_i32_0 = arith.constant 0 : i32
    %c0_i32_1 = arith.constant 0 : i32
    return %c0_i32, %c0_i32_0 : i32, i32
  }
  func.func @transform_9(%arg0: i32) -> (i32, i32) {
    %c0_i32 = arith.constant 0 : i32
    %c0_i32_0 = arith.constant 0 : i32
    %c0_i32_1 = arith.constant 0 : i32
    return %c0_i32, %c0_i32_0 : i32, i32
  }
  func.func @transform_10(%arg0: i32) -> (i32, i32) {
    %c0_i32 = arith.constant 0 : i32
    %c0_i32_0 = arith.constant 0 : i32
    %c0_i32_1 = arith.constant 0 : i32
    return %c0_i32, %c0_i32_0 : i32, i32
  }
  func.func @transform_11(%arg0: i32) -> (i32, i32) {
    %c0_i32 = arith.constant 0 : i32
    %c0_i32_0 = arith.constant 0 : i32
    %c0_i32_1 = arith.constant 0 : i32
    return %c0_i32, %c0_i32_0 : i32, i32
  }
  func.func @transform_12(%arg0: i32) -> (i32, i32) {
    %c0_i32 = arith.constant 0 : i32
    %c0_i32_0 = arith.constant 0 : i32
    %c0_i32_1 = arith.constant 0 : i32
    return %c0_i32, %c0_i32_0 : i32, i32
  }
  func.func @transform_13(%arg0: i32) -> (i32, i32) {
    %c0_i32 = arith.constant 0 : i32
    %c0_i32_0 = arith.constant 0 : i32
    %c0_i32_1 = arith.constant 0 : i32
    return %c0_i32, %c0_i32_0 : i32, i32
  }
  func.func @transform_14(%arg0: i32) -> (i32, i32) {
    %c0_i32 = arith.constant 0 : i32
    %c0_i32_0 = arith.constant 0 : i32
    return %arg0, %c0_i32 : i32, i32
  }
}

</mosaic_0001>

<sc_bundles>
// kernel: kernel.4.cloned.1.call-start
scs
__scs_entry_jumppad:
0x0: {  	(pc) =	sbr.rel $0x88, $3  }
0x1: {  	(tag) =	ssettag $0x0;
	lr =	simm.s32 $0x1  }
0x2: {  	[smem:$0x3F90] =	sst lr;
	_ =	strace $0xD0000000  }
0x3: {  	_ = 	snop  }
0x4: {  	_ = 	snop  }
0x5: {  	_ = 	snop  }
0x6: {  	_ = 	snop  }
0x7: {  	_ = 	snop  }
__scs_overlays_trampoline_lowered:
0x8: {  	[smem:$0x3F9F] =	sst s0  }
0x9: {  	[smem:$0x3FA0] =	sst s1  }
0xa: {  	[smem:$0x3FA1] =	sst s2  }
0xb: {  	[smem:$0x3FA2] =	sst s3  }
0xc: {  	[smem:$0x3FA3] =	sst s4  }
0xd: {  	[smem:$0x3FA4] =	sst s5  }
0xe: {  	[smem:$0x3FA5] =	sst s6  }
0xf: {  	[smem:$0x3FA6] =	sst s7  }
0x10: {  	[smem:$0x3FA7] =	sst s8  }
0x11: {  	[smem:$0x3FA8] =	sst s9;
	s0 =	simm.s32 @!p0 $0x0  }
0x12: {  	s1 =	sld [smem:$0x3F8E];
	s0 =	simm.s32 @p0 $0x1  }
0x13: {  	[smem:$0x3FA9] =	sst s0;
	s0 =	simm.s32 @!p1 $0x0  }
0x14: {  	s2 =	sld [smem:$0x3F8D];
	s0 =	simm.s32 @p1 $0x1  }
0x15: {  	[smem:$0x3FAA] =	sst s0;
	s0 =	simm.s32 @!p2 $0x0  }
0x16: {  	s3 =	sld [smem:$0x3FDB];
	s0 =	simm.s32 @p2 $0x1  }
0x17: {  	s4 =	simm.s32 $0x1BF5;
	[smem:$0x3FAC] =	sst s0  }
0x18: {  	s0 =	sld [smem:$0x3F8F];
	_ =	swait.ge [sflag:s4], $0x0  }
0x19: {  	s7 =	sld [smem:$0x3F90]  }
0x1a: {  	s8 =	sadd.s32 $0xFFFFE003, lr  }
0x1b: {  	s9 =	sadd.s32 $0xFFFFFEF7, lr;
	s5 =	simm.s32 $0xFFFFFFFF;
	p2 =	slt.u32 s8, $0xFFFFF086  }
0x1c: {  	p1 =	slt.u32 s9, $0xF7A;
	s5 =	simm.s32 @!p2 $0x0  }
0x1d: {  	s5 =	simm.s32 @p1 $0x1;
	p0 =	seq.s32 s7, s2  }
0x1e: {  	s7 =	smul.u32 @!p0 $0xF7A, s2;
	p2 =	seq.s32 @!p0 s5, $0x0  }
0x1f: {  	s9 =	smul.u32 $0xF7A, s1;
	s8 =	simm.s32 @!p0 $0x1BF5;
	p2 =	por !p2, p0  }
0x20: {  	[sflag:s8] =	ssyncset.s32 @!p0 $0xFFFFF086;
	s6 =	sadd.s32 @!p0 s3, s7;
	s7 =	simm.s32 @!p0 $0x108  }
0x21: {  	s3 =	sadd.s32 s3, s9;
	s6 =	sadd.s32 @!p0 $0x88, s6;
	s7 =	simm.s32 @p2 $0x1082  }
0x22: {  	[simem:s7], [sflag:s8] =	dma.local @!p0 [hbm:s6], $0xF7A  }
0x23: {  	s9 =	sor.u32 $0xD0000000, s2;
	s6 =	simm.s32 $0x108;
	_ =	swait.ge @!p0 [sflag:s8], $0x0  }
0x24: {  	s3 =	sadd.s32 $0x88, s3;
	s6 =	simm.s32 @!p1 $0x1082;
	[sflag:s4] =	ssyncset.s32 $0xFFFFF086  }
0x25: {  	[simem:s6], [sflag:s4] =	dma.local [hbm:s3], $0xF7A  }
0x26: {  	[smem:$0x3F90] =	sst s1;
	(tag) =	ssettag s2;
	_ =	strace s9  }
0x27: {  	s1 =	sld [smem:$0x3FA0]  }
0x28: {  	s2 =	sld [smem:$0x3FA1]  }
0x29: {  	s4 =	sld [smem:$0x3FA3]  }
0x2a: {  	p0 =	seq.s32 s5, $0x0;
	s5 =	sld [smem:$0x3FA4]  }
0x2b: {  	s6 =	sld [smem:$0x3FA5]  }
0x2c: {  	s7 =	sld [smem:$0x3FA6]  }
0x2d: {  	s3 =	simm.s32 $0x108;
	s8 =	sld [smem:$0x3FA7]  }
0x2e: {  	s3 =	simm.s32 @!p0 $0x1082;
	s9 =	sld [smem:$0x3FA8]  }
0x2f: {  	lr =	sadd.s32 s0, s3;
	s0 =	sld [smem:$0x3F9F]  }
0x30: {  	s3 =	sld [smem:$0x3FA2]  }
0x31: {  	[smem:$0x3FAB] =	sst s10  }
0x32: {  	s10 =	sld [smem:$0x3FA9];
	_ =	sdelay $0x3  }
0x33: {  	p0 =	seq.s32 s10, $0x1;
	s10 =	sld [smem:$0x3FAB];
	_ =	sdelay $0x3  }
0x34: {  	[smem:$0x3FAB] =	sst s10  }
0x35: {  	s10 =	sld [smem:$0x3FAA];
	_ =	sdelay $0x3  }
0x36: {  	p1 =	seq.s32 s10, $0x1;
	s10 =	sld [smem:$0x3FAB];
	_ =	sdelay $0x3  }
0x37: {  	[smem:$0x3FAB] =	sst s10  }
0x38: {  	s10 =	sld [smem:$0x3FAC]  }
0x39: {  	_ = 	snop;
	(pc) =	sbr.ind lr, $3  }
0x3a: {  	_ = 	snop  }
0x3b: {  	_ = 	snop  }
0x3c: {  	p2 =	seq.s32 s10, $0x1;
	s10 =	sld [smem:$0x3FAB]  }
0x3d: {  	_ =	shalt  }
0x3e: {  	_ =	shalt  }
0x3f: {  	_ =	shalt  }
0x40: {  	_ =	shalt  }
0x41: {  	_ =	shalt  }
0x42: {  	_ =	shalt  }
0x43: {  	_ =	shalt  }
0x44: {  	_ =	shalt  }
0x45: {  	_ =	shalt  }
0x46: {  	_ =	shalt  }
0x47: {  	_ =	shalt  }
0x48: {  	_ =	shalt  }
0x49: {  	_ =	shalt  }
0x4a: {  	_ =	shalt  }
0x4b: {  	_ =	shalt  }
0x4c: {  	_ =	shalt  }
0x4d: {  	_ =	shalt  }
0x4e: {  	_ =	shalt  }
0x4f: {  	_ =	shalt  }
0x50: {  	_ =	shalt  }
0x51: {  	_ =	shalt  }
0x52: {  	_ =	shalt  }
0x53: {  	_ =	shalt  }
0x54: {  	_ =	shalt  }
0x55: {  	_ =	shalt  }
0x56: {  	_ =	shalt  }
0x57: {  	_ =	shalt  }
0x58: {  	_ =	shalt  }
0x59: {  	_ =	shalt  }
0x5a: {  	_ =	shalt  }
0x5b: {  	_ =	shalt  }
0x5c: {  	_ =	shalt  }
0x5d: {  	_ =	shalt  }
0x5e: {  	_ =	shalt  }
0x5f: {  	_ =	shalt  }
0x60: {  	_ =	shalt  }
0x61: {  	_ =	shalt  }
0x62: {  	_ =	shalt  }
0x63: {  	_ =	shalt  }
0x64: {  	_ =	shalt  }
0x65: {  	_ =	shalt  }
0x66: {  	_ =	shalt  }
0x67: {  	_ =	shalt  }
0x68: {  	_ =	shalt  }
0x69: {  	_ =	shalt  }
0x6a: {  	_ =	shalt  }
0x6b: {  	_ =	shalt  }
0x6c: {  	_ =	shalt  }
0x6d: {  	_ =	shalt  }
0x6e: {  	_ =	shalt  }
0x6f: {  	_ =	shalt  }
0x70: {  	_ =	shalt  }
0x71: {  	_ =	shalt  }
0x72: {  	_ =	shalt  }
0x73: {  	_ =	shalt  }
0x74: {  	_ =	shalt  }
0x75: {  	_ =	shalt  }
0x76: {  	_ =	shalt  }
0x77: {  	_ =	shalt  }
0x78: {  	_ =	shalt  }
0x79: {  	_ =	shalt  }
0x7a: {  	_ =	shalt  }
0x7b: {  	_ =	shalt  }
0x7c: {  	_ =	shalt  }
0x7d: {  	_ =	shalt  }
0x7e: {  	_ =	shalt  }
0x7f: {  	_ =	shalt  }
0x80: {  	_ =	shalt  }
0x81: {  	_ =	shalt  }
0x82: {  	_ =	shalt  }
0x83: {  	_ =	shalt  }
0x84: {  	_ =	shalt  }
0x85: {  	_ =	shalt  }
0x86: {  	_ =	shalt  }
0x87: {  	_ =	shalt  }
.Lfunc_end0:
.L_simem_size_0:
called_computation_lowered:
.L_overlay_start_0:
0x88: {  	s2 =	sld [smem:$0x3FD9]  }
0x89: {  	s3 =	sld [smem:$0x3FFE];
	_ =	sdelay $0x1  }
0x8a: {  	s1 =	srdreg.scid  }
0x8b: {  	s0 =	sand.u32 $0x1, s1  }
0x8c: {  	s16 =	sshll.u32 s0, $0xA;
	s2 =	sadd.s32 s3, s2  }
0x8d: {  	s2 =	sadd.s32 s2, s16  }
0x8e: {  	[smem:$0x3FB7] =	sst s2  }
0x8f: {  	_ = 	snop  }
0x90: {  	(tm) =	ssettm $0x1  }
0x91: {  	s17 =	sld [smem:$0x3FFB];
	_ =	sdelay $0x3  }
0x92: {  	_ =	strace s17  }
0x93: {  	s2 =	sld [smem:$0x3FFC];
	_ =	sdelay $0x3  }
0x94: {  	_ =	strace s2  }
0x95: {  	s2 =	sld [smem:$0x3FFD];
	_ =	sdelay $0x3  }
0x96: {  	_ =	strace s2  }
0x97: {  	_ =	strace $0x8FFFFFFF  }
0x98: {  	s18 =	sld [smem:$0x3FDB];
	_ =	sdelay $0x1  }
0x99: {  	s19 =	simm.s32 $_scs_section_size  }
0x9a: {  	s4 =	simm.s32 $_size__tile_overlayer_lowered;
	s5 =	simm.s32 $_tile_overlayer_lowered  }
0x9b: {  	s22 =	simm.s32 $0x1BFF;
	s21 =	sshll.u32 s5, $0x1;
	s2 =	sadd.s32 s19, s18  }
0x9c: {  	s6 =	simm.s32 $0x0;
	s20 =	sshll.u32 s4, $0x1;
	s4 =	sadd.s32 s21, s2  }
0x9d: {  	[timem:s6], [sflag:s22] =	dma.local [hbm:s4], s20  }
0x9e: {  	_ =	swait.ge [sflag:s22], s20  }
0x9f: {  	s3 =	ssub.s32 $0x0, s20;
	[sflag:s22] =	ssyncset.done $0x0  }
0xa0: {  	[sflag:s22] =	ssyncadd.s32 s3;
	_ =	sdelay $0x1  }
0xa1: {  	s23 =	simm.s32 $0x1B8B  }
0xa2: {  	_ =	swait.ge [sflag:s23], $0x1  }
0xa3: {  	[sflag:s23] =	ssyncset.done $0x0  }
0xa4: {  	s25 =	simm.s32 $0x1B8E;
	s24 =	sld [smem:$0x3FFE];
	[sflag:s23] =	ssyncadd.s32 $0xFFFFFFFF  }
0xa5: {  	s26 =	simm.s32 $execute0_lowered;
	[smem:$0x3FD2] =	sst s25  }
0xa6: {  	s4 =	sshll.u32 s26, $0x1;
	_ =	strace $0x80000046;
	[dreg:$0x1] =	wrdreg $0xFFFFFFFF  }
0xa7: {  	s28 =	simm.s32 $_size_execute0_lowered;
	s2 =	sadd.s32 s2, s4;
	[dreg:$0x0] =	wrdreg $0x0  }
0xa8: {  	s4 =	sshll.u32 s28, $0x1;
	[dreg:$0x2] =	wrdreg s2  }
0xa9: {  	[dreg:$0x3] =	wrdreg s4  }
0xaa: {  	[dreg:$0x4] =	wrdreg $0xC0  }
0xab: {  	_ =	task [dreg:s6], $0x5FFFF  }
0xac: {  	[dreg:$0x1] =	wrdreg $0xFFFFFFFF  }
0xad: {  	[dreg:$0x0] =	wrdreg $0x60  }
0xae: {  	[dreg:$0x2] =	wrdreg s24  }
0xaf: {  	[dreg:$0x3] =	wrdreg $0x9  }
0xb0: {  	_ =	task.clear_ibuf [dreg:s6], $0x4FFFF;
	_ =	strace $0x90000046  }
0xb1: {  	s29 =	simm.s32 $0x9;
	_ =	strace $0x80000048  }
0xb2: {  	_ =	swait.ge [sflag:s29], $0x1  }
0xb3: {  	[sflag:s29] =	ssyncadd.s32 $0xFFFFFFFF  }
0xb4: {  	_ =	strace $0x90000048  }
0xb5: {  	_ =	sfence  }
0xb6: {  	s30 =	sld [smem:$0x0];
	_ =	sdelay $0x2  }
0xb7: {  	s31 =	sshll.u32 s1, $0xD;
	s1 =	sshrl.u32 s1, $0x2  }
0xb8: {  	s3 =	sand.u32 $0x4000, s31;
	s1 =	sadd.s32 s1, s30  }
0xb9: {  	s0 =	sor.u32 s3, s0;
	s1 =	sshll.u32 s1, $0x11  }
0xba: {  	s0 =	sor.u32 s1, s0  }
0xbb: {  	s0 =	sadd.s32 $0x8F2B, s0  }
0xbc: {  	[sflag:s0] =	ssyncadd.remote.s32 $0x1  }
0xbd: {  	_ =	sfence.sel $0xFFFF  }
0xbe: {  	[dreg:$0x0] =	wrdreg $0xFFFFFFFF;
	(pc) =	sbr.abs _section_cstart, $3  }
0xbf: {  	[dreg:$0x1] =	wrdreg $0xFFFFFFFF  }
0xc0: {  	_ =	task.clear_ibuf [dreg:s6], $0x2FFFF;
	_ =	strace $0x9FFFFFFF  }
0xc1: {  	(tm) =	ssettm $0x7FFFFFFF  }
tec
execute0_lowered:
.L_overlay_start_1:
0x0: {  	(tag) =	ssettag $0x1  }
0x1: {  	s4 =	rddreg [dreg:$0x0]  }
0x2: {  	s0 =	rddreg [dreg:$0x1]  }
0x3: {  	s3 =	srdreg.scid;
	s1 =	stileid.u32  }
0x4: {  	s2 =	simm.s32 $0x0;
	s5 =	sand.u32 $0x1, s3;
	s29 =	smul.u32 $0x6800, s1  }
0x5: {  	s11 =	simm.s32 $0x0;
	[smem:$0x7FF] =	sst s2;
	s6 =	smul.u32 $0x3400, s5  }
0x6: {  	s30 =	smul.u32 $0x1A000, s1;
	_ =	strace $0x80000047;
	s7 =	ssub.s32 $0x2, s5  }
0x7: {  	s10 =	smul.u32 $0xD000, s5;
	s9 =	sshrl.u32 s7, $0x1;
	s3 =	sadd.s32 s6, s29  }
0x8: {  	s6 =	sadd.s32 s30, s4;
	s31 =	ssub.s32 s7, s9;
	s9 =	simm.s32 $0x80  }
0x9: {  	s8 =	sshrl.u32 s3, $0x3;
	s5 =	smax.u32 s31, $0x1;
	s6 =	sadd.s32 s10, s6  }
0xa: {  	s10 =	simm.s32 $0x1;
	s8 =	sadd.s32 s8, s4;
	s4 =	sadd.s32 $0x27AEC00, s4  }
0xb: {  	v0 =	vlaneseq.u32;
	s6 =	sadd.s32 $0xF800, s6;
	s7 =	sadd.s32 $0x2800, s8;
	s8 =	simm.s32 $0x2  }
.LBB2_1:
0xc: {  	s12 =	sadd.s32 $0x0, s3  }
0xd: {  	s13 =	sadd.s32 $0x10, s12  }
0xe: {  	s29 =	sadd.s32 $0x40, s12;
	v1 =	vor.u32 s13, v0  }
0xf: {  	s14 =	sadd.s32 $0x50, s12;
	v4 =	vor.u32 s12, v0;
	s31 =	sadd.s32 $0x30, s12;
	v3 =	vor.u32 s29, v0;
	v2 =	vmulhi.u32 $0x4EC4EC4F, v1  }
0x10: {  	s15 =	sadd.s32 $0x20, s12;
	s30 =	sadd.s32 $0x70, s12;
	v5 =	vor.u32 s14, v0;
	v6 =	vor.u32 s31, v0;
	v8 =	vmulhi.u32 $0x4EC4EC4F, v3  }
0x11: {  	s12 =	sadd.s32 $0x60, s12;
	v7 =	vor.u32 s15, v0;
	v10 =	vor.u32 s30, v0;
	v11 =	vmulhi.u32 $0x4EC4EC4F, v6  }
0x12: {  	v9 =	vor.u32 s12, v0;
	v13 =	vmulhi.u32 $0x4EC4EC4F, v7;
	v2 =	vshrl.u32 v2, $0x3  }
0x13: {  	v12 =	vmulhi.u32 $0x4EC4EC4F, v9;
	v8 =	vshrl.u32 v8, $0x3;
	v2 =	vmul.u32 $0x1A, v2  }
0x14: {  	v11 =	vshrl.u32 v11, $0x3;
	v13 =	vshrl.u32 v13, $0x3;
	v8 =	vmul.u32 $0x1A, v8  }
0x15: {  	v1 =	vsub.s32 v1, v2;
	v2 =	vmul.u32 $0x1A, v11;
	v11 =	vmulhi.u32 $0x4EC4EC4F, v4  }
0x16: {  	v13 =	vmul.u32 $0x1A, v13;
	v3 =	vsub.s32 v3, v8;
	v8 =	vmulhi.u32 $0x4EC4EC4F, v5  }
0x17: {  	v12 =	vshrl.u32 v12, $0x3;
	v2 =	vsub.s32 v6, v2;
	v6 =	vmulhi.u32 $0x4EC4EC4F, v10  }
0x18: {  	[tilespmem:s2], [sflag:$0x2] =	stream.linear.gather [hbm4b:s7+s2], $0x80, $0x38;
	v12 =	vmul.u32 $0x1A, v12;
	v7 =	vsub.s32 v7, v13;
	[tilespmem:$0x1080] =	vst v63  }
0x19: {  	_ =	swait.ge [sflag:s8], $0x80;
	v11 =	vshrl.u32 v11, $0x3;
	v8 =	vshrl.u32 v8, $0x3;
	v6 =	vshrl.u32 v6, $0x3  }
0x1a: {  	[sflag:s8] =	ssyncset.done $0x0;
	v11 =	vmul.u32 $0x1A, v11;
	v14 =	vmul.u32 $0x1A, v8;
	v15 =	vmul.u32 $0x1A, v6  }
0x1b: {  	s13 =	simm.s32 $0x80;
	[sflag:s8] =	ssyncadd.s32 $0xFFFFFF80;
	v1 =	vmul.u32 $0x186A0, v1;
	v2 =	vmul.u32 $0x186A0, v2;
	v6 =	vsub.s32 v9, v12  }
0x1c: {  	s14 =	smov.u32 s6;
	s15 =	smov.u32 s7;
	s12 =	smov.u32 s6;
	v8 =	vsub.s32 v4, v11;
	v4 =	vsub.s32 v5, v14;
	v9 =	vld [tilespmem:$0x40];
	v5 =	vsub.s32 v10, v15  }
.LBB2_2:
0x1d: {  	p0 =	sne.s32 s13, $0x3380;
	v10 =	vld [tilespmem:$0x60];
	s14 =	sadd.s32 $0x200, s14;
	s15 =	sadd.s32 $0x10, s15  }
0x1e: {  	s16 =	smov.u32 s13;
	s13 =	sadd.s32 $0x80, s13;
	v11 =	vld [tilespmem:$0x0]  }
0x1f: {  	v3 =	vmul.u32 $0x186A0, v3;
	v12 =	vld [tilespmem:$0x20]  }
0x20: {  	v6 =	vmul.u32 $0x186A0, v6;
	v13 =	vld [tilespmem:$0x10]  }
0x21: {  	v8 =	vmul.u32 $0x186A0, v8;
	v3 =	vadd.s32 v3, v9;
	v9 =	vld [tilespmem:$0x50]  }
0x22: {  	v7 =	vmul.u32 $0x186A0, v7;
	s16 =	sadd.s32 s16, s3;
	[tilespmem:$0x40] =	vst v3;
	v3 =	vadd.s32 v6, v10;
	v6 =	vld [tilespmem:$0x70]  }
0x23: {  	v4 =	vmul.u32 $0x186A0, v4;
	s17 =	sadd.s32 $0x10, s16;
	s18 =	sadd.s32 $0x20, s16;
	s19 =	sadd.s32 $0x50, s16;
	v8 =	vadd.s32 v8, v11;
	v10 =	vld [tilespmem:$0x30];
	[tilespmem:$0x60] =	vst v3;
	v3 =	vmul.u32 $0x186A0, v5  }
0x24: {  	v5 =	vor.u32 s16, v0;
	v11 =	vor.u32 s19, v0;
	s19 =	sadd.s32 $0x70, s16;
	[tilespmem:$0x0] =	vst v8;
	v7 =	vadd.s32 v7, v12  }
0x25: {  	v8 =	vor.u32 s17, v0;
	v12 =	vor.u32 s18, v0;
	s17 =	sadd.s32 $0x40, s16;
	s18 =	sadd.s32 $0x60, s16;
	v1 =	vadd.s32 v1, v13;
	[tilespmem:$0x20] =	vst v7  }
0x26: {  	s16 =	sadd.s32 $0x30, s16;
	v7 =	vmulhi.u32 $0x4EC4EC4F, v8;
	v13 =	vor.u32 s19, v0;
	[tilespmem:$0x10] =	vst v1;
	v1 =	vadd.s32 v4, v9  }
0x27: {  	v4 =	vor.u32 s17, v0;
	v9 =	vor.u32 s18, v0;
	[tilespmem:$0x50] =	vst v1;
	v1 =	vadd.s32 v3, v6  }
0x28: {  	v3 =	vshrl.u32 v7, $0x3;
	v6 =	vor.u32 s16, v0;
	v2 =	vadd.s32 v2, v10;
	[tilespmem:$0x70] =	vst v1  }
0x29: {  	v1 =	vmul.u32 $0x1A, v3;
	v3 =	vmulhi.u32 $0x4EC4EC4F, v4;
	[tilespmem:$0x30] =	vst v2  }
0x2a: {  	v2 =	vmulhi.u32 $0x4EC4EC4F, v6;
	[tilespmem:s9], [sflag:$0x1] =	stream.indirect.gather [hbm4b:s4+s9], $0x20, s2, s9, $0xb8;
	[tilespmem:$0x1080] =	vst v63  }
0x2b: {  	v7 =	vmulhi.u32 $0x4EC4EC4F, v9;
	v1 =	vsub.s32 v8, v1;
	v3 =	vshrl.u32 v3, $0x3;
	_ =	swait.ge [sflag:s10], $0x1000  }
0x2c: {  	v1 =	vmul.u32 $0x186A0, v1;
	v2 =	vshrl.u32 v2, $0x3;
	v3 =	vmul.u32 $0x1A, v3;
	[sflag:s10] =	ssyncset.done $0x0  }
0x2d: {  	v7 =	vshrl.u32 v7, $0x3;
	v8 =	vmulhi.u32 $0x4EC4EC4F, v12;
	v2 =	vmul.u32 $0x1A, v2;
	[sflag:s10] =	ssyncadd.s32 $0xFFFFF000  }
0x2e: {  	v10 =	vmulhi.u32 $0x4EC4EC4F, v5;
	v3 =	vsub.s32 v4, v3;
	v4 =	vmul.u32 $0x1A, v7;
	[hbm4b:s12+s2] =	stream.linear.scatter [tilespmem:s9], [sflag:$0x2], $0x1000, $0x38;
	[tilespmem:$0x1080] =	vst v63  }
0x2f: {  	v7 =	vshrl.u32 v8, $0x3;
	v8 =	vmulhi.u32 $0x4EC4EC4F, v11;
	v2 =	vsub.s32 v6, v2;
	s12 =	smov.u32 s14;
	_ =	swait.ge [sflag:s8], $0x1000  }
0x30: {  	v7 =	vmul.u32 $0x1A, v7;
	v2 =	vmul.u32 $0x186A0, v2;
	v6 =	vsub.s32 v9, v4;
	[sflag:s8] =	ssyncset.done $0x0  }
0x31: {  	v4 =	vshrl.u32 v10, $0x3;
	v8 =	vshrl.u32 v8, $0x3;
	v9 =	vmulhi.u32 $0x4EC4EC4F, v13;
	[sflag:s8] =	ssyncadd.s32 $0xFFFFF000  }
0x32: {  	[tilespmem:s2], [sflag:$0x2] =	stream.linear.gather [hbm4b:s15+s2], $0x80, $0x38;
	[tilespmem:$0x1080] =	vst v63  }
.Ltmp0:
0x33: {  	v4 =	vmul.u32 $0x1A, v4;
	v7 =	vsub.s32 v12, v7;
	v10 =	vmul.u32 $0x1A, v8;
	(pc) =	sbr.rel @p0 .LBB2_2-.Ltmp0, $4  }
0x34: {  	v9 =	vshrl.u32 v9, $0x3;
	_ =	swait.ge [sflag:s8], $0x80  }
0x35: {  	v8 =	vsub.s32 v5, v4;
	v4 =	vsub.s32 v11, v10;
	v5 =	vmul.u32 $0x1A, v9;
	[sflag:s8] =	ssyncset.done $0x0  }
0x36: {  	[sflag:s8] =	ssyncadd.s32 $0xFFFFFF80  }
0x37: {  	v5 =	vsub.s32 v13, v5;
	v9 =	vld [tilespmem:$0x40]  }
0x38: {  	v10 =	vld [tilespmem:$0x60]  }
0x39: {  	v11 =	vld [tilespmem:$0x0]  }
0x3a: {  	v12 =	vld [tilespmem:$0x20];
	v3 =	vmul.u32 $0x186A0, v3  }
0x3b: {  	v13 =	vld [tilespmem:$0x10];
	v6 =	vmul.u32 $0x186A0, v6  }
0x3c: {  	v8 =	vmul.u32 $0x186A0, v8;
	v62 =	vld [tilespmem:$0x30];
	v3 =	vadd.s32 v3, v9  }
0x3d: {  	v60 =	vld [tilespmem:$0x50];
	v7 =	vmul.u32 $0x186A0, v7;
	[tilespmem:$0x40] =	vst v3;
	v3 =	vadd.s32 v6, v10  }
0x3e: {  	v61 =	vld [tilespmem:$0x70];
	v8 =	vadd.s32 v8, v11;
	[tilespmem:$0x60] =	vst v3  }
0x3f: {  	v63 =	vadd.s32 v7, v12;
	[tilespmem:$0x0] =	vst v8  }
0x40: {  	v1 =	vadd.s32 v1, v13;
	v3 =	vmul.u32 $0x186A0, v4;
	[tilespmem:$0x20] =	vst v63  }
0x41: {  	v5 =	vmul.u32 $0x186A0, v5;
	v2 =	vadd.s32 v2, v62;
	[tilespmem:$0x10] =	vst v1  }
0x42: {  	[tilespmem:$0x30] =	vst v2;
	v1 =	vadd.s32 v3, v60  }
0x43: {  	[tilespmem:$0x50] =	vst v1;
	v1 =	vadd.s32 v5, v61  }
0x44: {  	[tilespmem:$0x70] =	vst v1  }
0x45: {  	[tilespmem:s9], [sflag:$0x1] =	stream.indirect.gather [hbm4b:s4+s9], $0x20, s2, s9, $0xb8;
	[tilespmem:$0x1080] =	vst v63  }
0x46: {  	s11 =	sadd.s32 $0x1, s11;
	_ =	swait.ge [sflag:s10], $0x1000  }
0x47: {  	p0 =	sne.s32 s11, s5;
	[sflag:s10] =	ssyncset.done $0x0  }
.Ltmp1:
0x48: {  	[sflag:s10] =	ssyncadd.s32 $0xFFFFF000;
	(pc) =	sbr.rel @p0 .LBB2_1-.Ltmp1, $4  }
0x49: {  	[hbm4b:s12+s2] =	stream.linear.scatter [tilespmem:s9], [sflag:$0x2], $0x1000, $0x38;
	[tilespmem:$0x1080] =	vst v63  }
0x4a: {  	_ =	swait.ge [sflag:s8], $0x1000  }
0x4b: {  	[sflag:s8] =	ssyncset.done $0x0  }
0x4c: {  	[sflag:s8] =	ssyncadd.s32 $0xFFFFF000  }
0x4d: {  	_ =	sfence.sel $0x180000  }
0x4e: {  	[bflag:$0x0] =	sbarrier.arrive $0xFFFF  }
0x4f: {  	p0 =	sne.s32 s1, $0x0;
	_ =	strace $0x90000047  }
0x50: {  	s0 =	sadd.s32 @!p0 $0x100000, s0;
	[bflag:$0x2] =	sbarrier.arrive $0xFFFF  }
0x51: {  	[sflag:s0] =	ssyncadd.tile.s32 @!p0 $0x1;
	_ =	shalt  }
.Lfunc_end2:
_tile_overlayer_lowered:
.L_overlay_start_2:
0x52: {  	(tag) =	ssettag $0x2  }
0x53: {  	s0 =	rddreg [dreg:$0x0];
	s2 =	stileid.u32  }
0x54: {  	s1 =	rddreg [dreg:$0x1];
	p0 =	sne.s32 s2, $0x0  }
0x55: {  	s3 =	rddreg [dreg:$0x2];
	[bflag:$0x3] =	sbarrier.arrive $0xFFFF;
	s2 =	simm.s32 @!p0 $0x1C02  }
0x56: {  	[timem:s3], [sflag:s2] =	dma.local @!p0 [hbm:s0], s1  }
0x57: {  	s0 =	simm.s32 @!p0 $0x2  }
0x58: {  	_ =	swait.ge @!p0 [sflag:s0], s1  }
0x59: {  	s1 =	ssub.s32 @!p0 $0x0, s1;
	[sflag:s0] =	ssyncset.done @!p0 $0x0  }
0x5a: {  	[sflag:s0] =	ssyncadd.s32 @!p0 s1  }
0x5b: {  	[bflag:$0x3] =	sbarrier.arrive $0xFFFF  }
0x5c: {  	_ =	shalt  }

</sc_bundles>
